<compile_context>
chip_gen: v7x
topology: tpu7x:2x2x1
jax: 0.10.2.dev20260603
libtpu: 0.0.44.dev20260713+nightly
codegen_flags: <defaults>
</compile_context>

<pallas_src>
import jax
import jax.numpy as jnp
from jax.experimental import pallas as pl
from jax.experimental.pallas import tpu as pltpu

_N = 20000
_NPAD = 20480
_ROWS = _NPAD // 128
_K = 2000
_KPAD = 2048
_B = 128
_T = _KPAD // _B
_POST = 1000
_TH = 0.7
_IMG_H = 1024.0
_IMG_W = 1024.0


def _decode_kernel(ax1, ay1, ax2, ay2, dx, dy, dw, dh, sc,
                   bx1, by1, bx2, by2, ms):
    widths = ax2[...] - ax1[...]
    heights = ay2[...] - ay1[...]
    ctr_x = ax1[...] + 0.5 * widths
    ctr_y = ay1[...] + 0.5 * heights
    dwc = jnp.minimum(dw[...], 4.0)
    dhc = jnp.minimum(dh[...], 4.0)
    pcx = dx[...] * widths + ctr_x
    pcy = dy[...] * heights + ctr_y
    pw = jnp.exp(dwc) * widths
    ph = jnp.exp(dhc) * heights
    x1 = jnp.clip(pcx - 0.5 * pw, 0.0, _IMG_W)
    y1 = jnp.clip(pcy - 0.5 * ph, 0.0, _IMG_H)
    x2 = jnp.clip(pcx + 0.5 * pw, 0.0, _IMG_W)
    y2 = jnp.clip(pcy + 0.5 * ph, 0.0, _IMG_H)
    bx1[...] = x1
    by1[...] = y1
    bx2[...] = x2
    by2[...] = y2
    valid = (x2 - x1 > 0.0) & (y2 - y1 > 0.0)
    ms[...] = jnp.where(valid, sc[...], -jnp.inf)


def _nms_kernel(x1c, y1c, x2c, y2c, x1r, y1r, x2r, y2r, keep_ref, m_ref):
    X1r = x1r[...]
    Y1r = y1r[...]
    X2r = x2r[...]
    Y2r = y2r[...]
    area_r = (X2r - X1r) * (Y2r - Y1r)
    gidx = jax.lax.broadcasted_iota(jnp.int32, (1, _KPAD), 1)
    ridx = jax.lax.broadcasted_iota(jnp.int32, (_B, 1), 0)

    def build(t, _):
        s = t * _B
        tx1 = x1c[pl.ds(s, _B), :]
        ty1 = y1c[pl.ds(s, _B), :]
        tx2 = x2c[pl.ds(s, _B), :]
        ty2 = y2c[pl.ds(s, _B), :]
        area_t = (tx2 - tx1) * (ty2 - ty1)
        w = jnp.clip(jnp.minimum(tx2, X2r) - jnp.maximum(tx1, X1r), 0.0)
        h = jnp.clip(jnp.minimum(ty2, Y2r) - jnp.maximum(ty1, Y1r), 0.0)
        inter = w * h
        union = area_t + area_r - inter
        iou = inter / jnp.maximum(union, 1e-9)
        tri = gidx > (ridx + s)
        m_ref[pl.ds(s, _B), :] = ((iou > _TH) & tri).astype(jnp.float32)
        return 0

    jax.lax.fori_loop(0, _T, build, 0)
    M = m_ref[...]

    def f(k):
        cnt = jnp.dot(k, M, preferred_element_type=jnp.float32)
        return (cnt == 0.0).astype(jnp.float32)

    k0 = jnp.ones((1, _KPAD), jnp.float32)

    def cond(c):
        kp, kc = c
        return jnp.any(kp != kc)

    def body(c):
        _, kc = c
        return (kc, f(kc))

    _, kf = jax.lax.while_loop(cond, body, (k0, f(k0)))
    keep_ref[...] = kf


def kernel(anchors, deltas, scores):
    f32 = jnp.float32
    anchors = anchors.astype(f32)
    deltas = deltas.astype(f32)
    scores = scores.astype(f32)
    pad = _NPAD - _N

    def col(a, i):
        return jnp.pad(a[:, i], (0, pad)).reshape(_ROWS, 128)

    args = ([col(anchors, i) for i in range(4)]
            + [col(deltas, i) for i in range(4)]
            + [jnp.pad(scores, (0, pad)).reshape(_ROWS, 128)])
    shp = jax.ShapeDtypeStruct((_ROWS, 128), f32)
    bx1, by1, bx2, by2, ms = pl.pallas_call(
        _decode_kernel, out_shape=[shp] * 5)(*args)
    boxes = jnp.stack([bx1.reshape(-1)[:_N], by1.reshape(-1)[:_N],
                       bx2.reshape(-1)[:_N], by2.reshape(-1)[:_N]], axis=1)
    masked = ms.reshape(-1)[:_N]

    topv, topi = jax.lax.top_k(masked, _K)
    top_boxes = boxes[topi]

    tb = jnp.pad(top_boxes, ((0, _KPAD - _K), (0, 0)))
    cols = [tb[:, i].reshape(_KPAD, 1) for i in range(4)]
    rows = [tb[:, i].reshape(1, _KPAD) for i in range(4)]
    keep = pl.pallas_call(
        _nms_kernel,
        out_shape=jax.ShapeDtypeStruct((1, _KPAD), f32),
        scratch_shapes=[pltpu.VMEM((_KPAD, _KPAD), f32)])(*cols, *rows)

    keepb = keep[0, :_K] > 0.0
    flag = keepb & (topv > -jnp.inf)
    c = jnp.cumsum(flag.astype(jnp.int32))
    nk = c[-1]
    idx = jnp.arange(_K, dtype=jnp.int32)
    pos = jnp.where(flag, c - 1, nk + idx - c)
    fi = jnp.zeros((_K,), jnp.int32).at[pos].set(idx)[:_POST]
    final_boxes = top_boxes[fi]
    final_scores = topv[fi]
    return jnp.concatenate([final_boxes, final_scores[:, None]], axis=1)

# --- scband reference (transcript-rebuilt; emitter-appended) ---
"""Pipeline reference for scband-rpn-mdn-36249523978842 (READ-ONLY COPY).

The authoritative reference and input builder live on the scoring server;
editing this copy changes nothing except your own understanding.
"""

import jax, jax.numpy as jnp
import numpy as np

N_ANCHORS = 20000
PRE_NMS_TOPK = 2000
POST_NMS_TOPK = 1000
NMS_THRESH = 0.7
MIN_BOX_SIZE = 0.0
IMG_H = 1024.0
IMG_W = 1024.0


def setup_inputs(seed: int = 0) -> dict:
    key = jax.random.key(seed)
    k1, k2, k3, k4, k5 = jax.random.split(key, 5)
    cx = jax.random.uniform(k1, (N_ANCHORS,)) * IMG_W
    cy = jax.random.uniform(k2, (N_ANCHORS,)) * IMG_H
    wh = jax.random.uniform(k3, (N_ANCHORS, 2)) * 240.0 + 16.0
    anchors = jnp.stack([cx - wh[:, 0] * 0.5, cy - wh[:, 1] * 0.5,
                         cx + wh[:, 0] * 0.5, cy + wh[:, 1] * 0.5], axis=1)
    deltas = jax.random.normal(k4, (N_ANCHORS, 4)) * 0.1
    scores = jax.random.normal(k5, (N_ANCHORS,))
    return {"anchors": anchors, "deltas": deltas, "scores": scores}


def _decode(anchors, deltas):
    # Box2BoxTransform.apply_deltas with weights (1,1,1,1)
    widths = anchors[:, 2] - anchors[:, 0]
    heights = anchors[:, 3] - anchors[:, 1]
    ctr_x = anchors[:, 0] + 0.5 * widths
    ctr_y = anchors[:, 1] + 0.5 * heights
    dx, dy = deltas[:, 0], deltas[:, 1]
    dw = jnp.minimum(deltas[:, 2], 4.0)  # scale clamp
    dh = jnp.minimum(deltas[:, 3], 4.0)
    pred_ctr_x = dx * widths + ctr_x
    pred_ctr_y = dy * heights + ctr_y
    pred_w = jnp.exp(dw) * widths
    pred_h = jnp.exp(dh) * heights
    return jnp.stack([pred_ctr_x - 0.5 * pred_w, pred_ctr_y - 0.5 * pred_h,
                      pred_ctr_x + 0.5 * pred_w, pred_ctr_y + 0.5 * pred_h], axis=1)


def _clip(boxes):
    x1 = jnp.clip(boxes[:, 0], 0.0, IMG_W)
    y1 = jnp.clip(boxes[:, 1], 0.0, IMG_H)
    x2 = jnp.clip(boxes[:, 2], 0.0, IMG_W)
    y2 = jnp.clip(boxes[:, 3], 0.0, IMG_H)
    return jnp.stack([x1, y1, x2, y2], axis=1)


def _iou_matrix(boxes):
    area = (boxes[:, 2] - boxes[:, 0]) * (boxes[:, 3] - boxes[:, 1])
    lt = jnp.maximum(boxes[:, None, :2], boxes[None, :, :2])
    rb = jnp.minimum(boxes[:, None, 2:], boxes[None, :, 2:])
    wh = jnp.clip(rb - lt, 0.0)
    inter = wh[..., 0] * wh[..., 1]
    union = area[:, None] + area[None, :] - inter
    return inter / jnp.maximum(union, 1e-9)


def _nms_keep(boxes_sorted, thresh):
    # boxes already sorted by score descending; greedy suppression
    K = boxes_sorted.shape[0]
    iou = _iou_matrix(boxes_sorted)
    idx = jnp.arange(K)

    def body(i, keep):
        suppress = (iou[i] > thresh) & keep[i] & (idx > i)
        return keep & (~suppress)

    keep = jax.lax.fori_loop(0, K, body, jnp.ones((K,), dtype=bool))
    return keep


def reference(anchors, deltas, scores):
    boxes = _clip(_decode(anchors, deltas))
    w = boxes[:, 2] - boxes[:, 0]
    h = boxes[:, 3] - boxes[:, 1]
    valid = (w > MIN_BOX_SIZE) & (h > MIN_BOX_SIZE)
    masked_scores = jnp.where(valid, scores, -jnp.inf)
    # pre-NMS top-k
    topv, topi = jax.lax.top_k(masked_scores, PRE_NMS_TOPK)
    top_boxes = boxes[topi]
    # NMS (selection is non-differentiable, stop_gradient for parity with torch no_grad)
    keep = _nms_keep(jax.lax.stop_gradient(top_boxes), NMS_THRESH)
    keep_scores = jnp.where(keep, topv, -jnp.inf)
    # post-NMS top-k
    _, fi = jax.lax.top_k(keep_scores, POST_NMS_TOPK)
    final_boxes = top_boxes[fi]
    final_scores = topv[fi]
    proposals = jnp.concatenate([final_boxes, final_scores[:, None]], axis=1)
    return proposals

if __name__ == "__main__":
    import jax
    _d = setup_inputs()
    print(jax.jit(kernel)(*tuple(_d.values())))

</pallas_src>

<mosaic_0001>
module attributes {stable_mosaic.version = 14 : i64} {
  func.func @_decode_kernel(%arg0: memref<160x128xf32, #tpu.memory_space<vmem>>, %arg1: memref<160x128xf32, #tpu.memory_space<vmem>>, %arg2: memref<160x128xf32, #tpu.memory_space<vmem>>, %arg3: memref<160x128xf32, #tpu.memory_space<vmem>>, %arg4: memref<160x128xf32, #tpu.memory_space<vmem>>, %arg5: memref<160x128xf32, #tpu.memory_space<vmem>>, %arg6: memref<160x128xf32, #tpu.memory_space<vmem>>, %arg7: memref<160x128xf32, #tpu.memory_space<vmem>>, %arg8: memref<160x128xf32, #tpu.memory_space<vmem>>, %arg9: memref<160x128xf32, #tpu.memory_space<vmem>>, %arg10: memref<160x128xf32, #tpu.memory_space<vmem>>, %arg11: memref<160x128xf32, #tpu.memory_space<vmem>>, %arg12: memref<160x128xf32, #tpu.memory_space<vmem>>, %arg13: memref<160x128xf32, #tpu.memory_space<vmem>>) attributes {dimension_semantics = [], scalar_prefetch = 0 : i64, scratch_operands = 0 : i64, tpu.core_type = #tpu.core_type<tc>} {
    %get3A = arith.constant 0 : index
    %get3A_0 = arith.constant 0 : index
    %get3A_1 = vector.load %arg2[%get3A, %get3A_0] : memref<160x128xf32, #tpu.memory_space<vmem>>, vector<160x128xf32>
    %get3A_2 = arith.constant 0 : index
    %get3A_3 = arith.constant 0 : index
    %get3A_4 = vector.load %arg0[%get3A_2, %get3A_3] : memref<160x128xf32, #tpu.memory_space<vmem>>, vector<160x128xf32>
    %sub3A = arith.subf %get3A_1, %get3A_4 : vector<160x128xf32>
    %get3A_5 = arith.constant 0 : index
    %get3A_6 = arith.constant 0 : index
    %get3A_7 = vector.load %arg3[%get3A_5, %get3A_6] : memref<160x128xf32, #tpu.memory_space<vmem>>, vector<160x128xf32>
    %get3A_8 = arith.constant 0 : index
    %get3A_9 = arith.constant 0 : index
    %get3A_10 = vector.load %arg1[%get3A_8, %get3A_9] : memref<160x128xf32, #tpu.memory_space<vmem>>, vector<160x128xf32>
    %sub3A_11 = arith.subf %get3A_7, %get3A_10 : vector<160x128xf32>
    %get3A_12 = arith.constant 0 : index
    %get3A_13 = arith.constant 0 : index
    %get3A_14 = vector.load %arg0[%get3A_12, %get3A_13] : memref<160x128xf32, #tpu.memory_space<vmem>>, vector<160x128xf32>
    %mul3A = arith.constant 5.000000e-01 : f32
    %mul3A_15 = vector.broadcast %mul3A : f32 to vector<160x128xf32>
    %mul3A_16 = arith.mulf %mul3A_15, %sub3A : vector<160x128xf32>
    %add3A = arith.addf %get3A_14, %mul3A_16 : vector<160x128xf32>
    %get3A_17 = arith.constant 0 : index
    %get3A_18 = arith.constant 0 : index
    %get3A_19 = vector.load %arg1[%get3A_17, %get3A_18] : memref<160x128xf32, #tpu.memory_space<vmem>>, vector<160x128xf32>
    %mul3A_20 = arith.constant 5.000000e-01 : f32
    %mul3A_21 = vector.broadcast %mul3A_20 : f32 to vector<160x128xf32>
    %mul3A_22 = arith.mulf %mul3A_21, %sub3A_11 : vector<160x128xf32>
    %add3A_23 = arith.addf %get3A_19, %mul3A_22 : vector<160x128xf32>
    %get3A_24 = arith.constant 0 : index
    %get3A_25 = arith.constant 0 : index
    %get3A_26 = vector.load %arg6[%get3A_24, %get3A_25] : memref<160x128xf32, #tpu.memory_space<vmem>>, vector<160x128xf32>
    %min3A = arith.constant 4.000000e+00 : f32
    %min3A_27 = vector.broadcast %min3A : f32 to vector<160x128xf32>
    %min3A_28 = arith.minimumf %get3A_26, %min3A_27 : vector<160x128xf32>
    %get3A_29 = arith.constant 0 : index
    %get3A_30 = arith.constant 0 : index
    %get3A_31 = vector.load %arg7[%get3A_29, %get3A_30] : memref<160x128xf32, #tpu.memory_space<vmem>>, vector<160x128xf32>
    %min3A_32 = arith.constant 4.000000e+00 : f32
    %min3A_33 = vector.broadcast %min3A_32 : f32 to vector<160x128xf32>
    %min3A_34 = arith.minimumf %get3A_31, %min3A_33 : vector<160x128xf32>
    %get3A_35 = arith.constant 0 : index
    %get3A_36 = arith.constant 0 : index
    %get3A_37 = vector.load %arg4[%get3A_35, %get3A_36] : memref<160x128xf32, #tpu.memory_space<vmem>>, vector<160x128xf32>
    %mul3A_38 = arith.mulf %get3A_37, %sub3A : vector<160x128xf32>
    %add3A_39 = arith.addf %mul3A_38, %add3A : vector<160x128xf32>
    %get3A_40 = arith.constant 0 : index
    %get3A_41 = arith.constant 0 : index
    %get3A_42 = vector.load %arg5[%get3A_40, %get3A_41] : memref<160x128xf32, #tpu.memory_space<vmem>>, vector<160x128xf32>
    %mul3A_43 = arith.mulf %get3A_42, %sub3A_11 : vector<160x128xf32>
    %add3A_44 = arith.addf %mul3A_43, %add3A_23 : vector<160x128xf32>
    %exp3A = math.exp %min3A_28 : vector<160x128xf32>
    %mul3A_45 = arith.mulf %exp3A, %sub3A : vector<160x128xf32>
    %exp3A_46 = math.exp %min3A_34 : vector<160x128xf32>
    %mul3A_47 = arith.mulf %exp3A_46, %sub3A_11 : vector<160x128xf32>
    %mul3A_48 = arith.constant 5.000000e-01 : f32
    %mul3A_49 = vector.broadcast %mul3A_48 : f32 to vector<160x128xf32>
    %mul3A_50 = arith.mulf %mul3A_49, %mul3A_45 : vector<160x128xf32>
    %sub3A_51 = arith.subf %add3A_39, %mul3A_50 : vector<160x128xf32>
    %jit3A = arith.constant 0.000000e+00 : f32
    %jit3A_52 = arith.constant 1.024000e+03 : f32
    %max3A = vector.broadcast %jit3A : f32 to vector<160x128xf32>
    %max3A_53 = arith.maximumf %max3A, %sub3A_51 : vector<160x128xf32>
    %min3A_54 = vector.broadcast %jit3A_52 : f32 to vector<160x128xf32>
    %min3A_55 = arith.minimumf %min3A_54, %max3A_53 : vector<160x128xf32>
    %mul3A_56 = arith.constant 5.000000e-01 : f32
    %mul3A_57 = vector.broadcast %mul3A_56 : f32 to vector<160x128xf32>
    %mul3A_58 = arith.mulf %mul3A_57, %mul3A_47 : vector<160x128xf32>
    %sub3A_59 = arith.subf %add3A_44, %mul3A_58 : vector<160x128xf32>
    %jit3A_60 = arith.constant 0.000000e+00 : f32
    %jit3A_61 = arith.constant 1.024000e+03 : f32
    %max3A_62 = vector.broadcast %jit3A_60 : f32 to vector<160x128xf32>
    %max3A_63 = arith.maximumf %max3A_62, %sub3A_59 : vector<160x128xf32>
    %min3A_64 = vector.broadcast %jit3A_61 : f32 to vector<160x128xf32>
    %min3A_65 = arith.minimumf %min3A_64, %max3A_63 : vector<160x128xf32>
    %mul3A_66 = arith.constant 5.000000e-01 : f32
    %mul3A_67 = vector.broadcast %mul3A_66 : f32 to vector<160x128xf32>
    %mul3A_68 = arith.mulf %mul3A_67, %mul3A_45 : vector<160x128xf32>
    %add3A_69 = arith.addf %add3A_39, %mul3A_68 : vector<160x128xf32>
    %jit3A_70 = arith.constant 0.000000e+00 : f32
    %jit3A_71 = arith.constant 1.024000e+03 : f32
    %max3A_72 = vector.broadcast %jit3A_70 : f32 to vector<160x128xf32>
    %max3A_73 = arith.maximumf %max3A_72, %add3A_69 : vector<160x128xf32>
    %min3A_74 = vector.broadcast %jit3A_71 : f32 to vector<160x128xf32>
    %min3A_75 = arith.minimumf %min3A_74, %max3A_73 : vector<160x128xf32>
    %mul3A_76 = arith.constant 5.000000e-01 : f32
    %mul3A_77 = vector.broadcast %mul3A_76 : f32 to vector<160x128xf32>
    %mul3A_78 = arith.mulf %mul3A_77, %mul3A_47 : vector<160x128xf32>
    %add3A_79 = arith.addf %add3A_44, %mul3A_78 : vector<160x128xf32>
    %jit3A_80 = arith.constant 0.000000e+00 : f32
    %jit3A_81 = arith.constant 1.024000e+03 : f32
    %max3A_82 = vector.broadcast %jit3A_80 : f32 to vector<160x128xf32>
    %max3A_83 = arith.maximumf %max3A_82, %add3A_79 : vector<160x128xf32>
    %min3A_84 = vector.broadcast %jit3A_81 : f32 to vector<160x128xf32>
    %min3A_85 = arith.minimumf %min3A_84, %max3A_83 : vector<160x128xf32>
    %swap3A = arith.constant 0 : index
    %swap3A_86 = arith.constant 0 : index
    %swap3A_87 = vector.load %arg9[%swap3A, %swap3A_86] : memref<160x128xf32, #tpu.memory_space<vmem>>, vector<160x128xf32>
    tpu.vector_store %arg9[%swap3A, %swap3A_86], %min3A_55 {strides = array<i32>} : memref<160x128xf32, #tpu.memory_space<vmem>>, vector<160x128xf32>,
    %swap3A_88 = arith.constant 0 : index
    %swap3A_89 = arith.constant 0 : index
    %swap3A_90 = vector.load %arg10[%swap3A_88, %swap3A_89] : memref<160x128xf32, #tpu.memory_space<vmem>>, vector<160x128xf32>
    tpu.vector_store %arg10[%swap3A_88, %swap3A_89], %min3A_65 {strides = array<i32>} : memref<160x128xf32, #tpu.memory_space<vmem>>, vector<160x128xf32>,
    %swap3A_91 = arith.constant 0 : index
    %swap3A_92 = arith.constant 0 : index
    %swap3A_93 = vector.load %arg11[%swap3A_91, %swap3A_92] : memref<160x128xf32, #tpu.memory_space<vmem>>, vector<160x128xf32>
    tpu.vector_store %arg11[%swap3A_91, %swap3A_92], %min3A_75 {strides = array<i32>} : memref<160x128xf32, #tpu.memory_space<vmem>>, vector<160x128xf32>,
    %swap3A_94 = arith.constant 0 : index
    %swap3A_95 = arith.constant 0 : index
    %swap3A_96 = vector.load %arg12[%swap3A_94, %swap3A_95] : memref<160x128xf32, #tpu.memory_space<vmem>>, vector<160x128xf32>
    tpu.vector_store %arg12[%swap3A_94, %swap3A_95], %min3A_85 {strides = array<i32>} : memref<160x128xf32, #tpu.memory_space<vmem>>, vector<160x128xf32>,
    %sub3A_97 = arith.subf %min3A_75, %min3A_55 : vector<160x128xf32>
    %gt3A = arith.constant 0.000000e+00 : f32
    %gt3A_98 = vector.broadcast %gt3A : f32 to vector<160x128xf32>
    %gt3A_99 = arith.cmpf ogt, %sub3A_97, %gt3A_98 : vector<160x128xf32>
    %sub3A_100 = arith.subf %min3A_85, %min3A_65 : vector<160x128xf32>
    %gt3A_101 = arith.constant 0.000000e+00 : f32
    %gt3A_102 = vector.broadcast %gt3A_101 : f32 to vector<160x128xf32>
    %gt3A_103 = arith.cmpf ogt, %sub3A_100, %gt3A_102 : vector<160x128xf32>
    %and3A = arith.andi %gt3A_99, %gt3A_103 : vector<160x128xi1>
    %get3A_104 = arith.constant 0 : index
    %get3A_105 = arith.constant 0 : index
    %get3A_106 = vector.load %arg8[%get3A_104, %get3A_105] : memref<160x128xf32, #tpu.memory_space<vmem>>, vector<160x128xf32>
    %jit3A_107 = arith.constant 0xFF800000 : f32
    %broadcast_in_dim3A = vector.broadcast %jit3A_107 : f32 to vector<160x128xf32>
    %select_n3A = arith.select %and3A, %get3A_106, %broadcast_in_dim3A : vector<160x128xi1>, vector<160x128xf32>
    %swap3A_108 = arith.constant 0 : index
    %swap3A_109 = arith.constant 0 : index
    %swap3A_110 = vector.load %arg13[%swap3A_108, %swap3A_109] : memref<160x128xf32, #tpu.memory_space<vmem>>, vector<160x128xf32>
    tpu.vector_store %arg13[%swap3A_108, %swap3A_109], %select_n3A {strides = array<i32>} : memref<160x128xf32, #tpu.memory_space<vmem>>, vector<160x128xf32>,
    return
  }
}

module attributes {stable_mosaic.version = 14 : i64} {
  func.func @_nms_kernel(%arg0: memref<2048x1xf32, #tpu.memory_space<vmem>>, %arg1: memref<2048x1xf32, #tpu.memory_space<vmem>>, %arg2: memref<2048x1xf32, #tpu.memory_space<vmem>>, %arg3: memref<2048x1xf32, #tpu.memory_space<vmem>>, %arg4: memref<1x2048xf32, #tpu.memory_space<vmem>>, %arg5: memref<1x2048xf32, #tpu.memory_space<vmem>>, %arg6: memref<1x2048xf32, #tpu.memory_space<vmem>>, %arg7: memref<1x2048xf32, #tpu.memory_space<vmem>>, %arg8: memref<1x2048xf32, #tpu.memory_space<vmem>>, %arg9: memref<2048x2048xf32, #tpu.memory_space<vmem>>) attributes {dimension_semantics = [], scalar_prefetch = 0 : i64, scratch_operands = 1 : i64, tpu.core_type = #tpu.core_type<tc>} {
    %get3A = arith.constant 0 : index
    %get3A_0 = arith.constant 0 : index
    %get3A_1 = vector.load %arg4[%get3A, %get3A_0] : memref<1x2048xf32, #tpu.memory_space<vmem>>, vector<1x2048xf32>
    %get3A_2 = arith.constant 0 : index
    %get3A_3 = arith.constant 0 : index
    %get3A_4 = vector.load %arg5[%get3A_2, %get3A_3] : memref<1x2048xf32, #tpu.memory_space<vmem>>, vector<1x2048xf32>
    %get3A_5 = arith.constant 0 : index
    %get3A_6 = arith.constant 0 : index
    %get3A_7 = vector.load %arg6[%get3A_5, %get3A_6] : memref<1x2048xf32, #tpu.memory_space<vmem>>, vector<1x2048xf32>
    %get3A_8 = arith.constant 0 : index
    %get3A_9 = arith.constant 0 : index
    %get3A_10 = vector.load %arg7[%get3A_8, %get3A_9] : memref<1x2048xf32, #tpu.memory_space<vmem>>, vector<1x2048xf32>
    %sub3A = arith.subf %get3A_7, %get3A_1 : vector<1x2048xf32>
    %sub3A_11 = arith.subf %get3A_10, %get3A_4 : vector<1x2048xf32>
    %mul3A = arith.mulf %sub3A, %sub3A_11 : vector<1x2048xf32>
    %iota3A = tpu.iota {dimensions = array<i32: 1>} : vector<1x2048xi32>
    %iota3A_12 = tpu.iota {dimensions = array<i32: 0>} : vector<128x1xi32>
    %scan3A = arith.constant 0 : i32
    %scan3A_13 = arith.constant 16 : i32
    %scan3A_14 = arith.addi %scan3A, %scan3A_13 : i32
    %scan3A_15 = arith.constant 1 : i32
    scf.for %scan3A_27 = %scan3A to %scan3A_14 step %scan3A_15  : i32 {
      %mul3A_28 = arith.constant 128 : i32
      %mul3A_29 = arith.muli %scan3A_27, %mul3A_28 : i32
      %get3A_30 = arith.index_cast %mul3A_29 : i32 to index
      %get3A_31 = arith.constant 0 : index
      %get3A_32 = vector.load %arg0[%get3A_30, %get3A_31] : memref<2048x1xf32, #tpu.memory_space<vmem>>, vector<128x1xf32>
      %get3A_33 = arith.index_cast %mul3A_29 : i32 to index
      %get3A_34 = arith.constant 0 : index
      %get3A_35 = vector.load %arg1[%get3A_33, %get3A_34] : memref<2048x1xf32, #tpu.memory_space<vmem>>, vector<128x1xf32>
      %get3A_36 = arith.index_cast %mul3A_29 : i32 to index
      %get3A_37 = arith.constant 0 : index
      %get3A_38 = vector.load %arg2[%get3A_36, %get3A_37] : memref<2048x1xf32, #tpu.memory_space<vmem>>, vector<128x1xf32>
      %get3A_39 = arith.index_cast %mul3A_29 : i32 to index
      %get3A_40 = arith.constant 0 : index
      %get3A_41 = vector.load %arg3[%get3A_39, %get3A_40] : memref<2048x1xf32, #tpu.memory_space<vmem>>, vector<128x1xf32>
      %sub3A_42 = arith.subf %get3A_38, %get3A_32 : vector<128x1xf32>
      %sub3A_43 = arith.subf %get3A_41, %get3A_35 : vector<128x1xf32>
      %mul3A_44 = arith.mulf %sub3A_42, %sub3A_43 : vector<128x1xf32>
      %min3A = vector.broadcast %get3A_38 : vector<128x1xf32> to vector<128x2048xf32>
      %min3A_45 = vector.broadcast %get3A_7 : vector<1x2048xf32> to vector<128x2048xf32>
      %min3A_46 = arith.minimumf %min3A, %min3A_45 : vector<128x2048xf32>
      %max3A = vector.broadcast %get3A_32 : vector<128x1xf32> to vector<128x2048xf32>
      %max3A_47 = vector.broadcast %get3A_1 : vector<1x2048xf32> to vector<128x2048xf32>
      %max3A_48 = arith.maximumf %max3A, %max3A_47 : vector<128x2048xf32>
      %sub3A_49 = arith.subf %min3A_46, %max3A_48 : vector<128x2048xf32>
      %jit3A = arith.constant 0.000000e+00 : f32
      %max3A_50 = vector.broadcast %jit3A : f32 to vector<128x2048xf32>
      %max3A_51 = arith.maximumf %max3A_50, %sub3A_49 : vector<128x2048xf32>
      %min3A_52 = vector.broadcast %get3A_41 : vector<128x1xf32> to vector<128x2048xf32>
      %min3A_53 = vector.broadcast %get3A_10 : vector<1x2048xf32> to vector<128x2048xf32>
      %min3A_54 = arith.minimumf %min3A_52, %min3A_53 : vector<128x2048xf32>
      %max3A_55 = vector.broadcast %get3A_35 : vector<128x1xf32> to vector<128x2048xf32>
      %max3A_56 = vector.broadcast %get3A_4 : vector<1x2048xf32> to vector<128x2048xf32>
      %max3A_57 = arith.maximumf %max3A_55, %max3A_56 : vector<128x2048xf32>
      %sub3A_58 = arith.subf %min3A_54, %max3A_57 : vector<128x2048xf32>
      %jit3A_59 = arith.constant 0.000000e+00 : f32
      %max3A_60 = vector.broadcast %jit3A_59 : f32 to vector<128x2048xf32>
      %max3A_61 = arith.maximumf %max3A_60, %sub3A_58 : vector<128x2048xf32>
      %mul3A_62 = arith.mulf %max3A_51, %max3A_61 : vector<128x2048xf32>
      %add3A = vector.broadcast %mul3A_44 : vector<128x1xf32> to vector<128x2048xf32>
      %add3A_63 = vector.broadcast %mul3A : vector<1x2048xf32> to vector<128x2048xf32>
      %add3A_64 = arith.addf %add3A, %add3A_63 : vector<128x2048xf32>
      %sub3A_65 = arith.subf %add3A_64, %mul3A_62 : vector<128x2048xf32>
      %max3A_66 = arith.constant 9.99999971E-10 : f32
      %max3A_67 = vector.broadcast %max3A_66 : f32 to vector<128x2048xf32>
      %max3A_68 = arith.maximumf %sub3A_65, %max3A_67 : vector<128x2048xf32>
      %div3A = arith.divf %mul3A_62, %max3A_68 : vector<128x2048xf32>
      %add3A_69 = vector.broadcast %mul3A_29 : i32 to vector<128x1xi32>
      %add3A_70 = arith.addi %iota3A_12, %add3A_69 : vector<128x1xi32>
      %gt3A = vector.broadcast %iota3A : vector<1x2048xi32> to vector<128x2048xi32>
      %gt3A_71 = vector.broadcast %add3A_70 : vector<128x1xi32> to vector<128x2048xi32>
      %gt3A_72 = arith.cmpi sgt, %gt3A, %gt3A_71 : vector<128x2048xi32>
      %gt3A_73 = arith.constant 0.699999988 : f32
      %gt3A_74 = vector.broadcast %gt3A_73 : f32 to vector<128x2048xf32>
      %gt3A_75 = arith.cmpf ogt, %div3A, %gt3A_74 : vector<128x2048xf32>
      %and3A = arith.andi %gt3A_75, %gt3A_72 : vector<128x2048xi1>
      %convert_element_type3A_76 = arith.extui %and3A : vector<128x2048xi1> to vector<128x2048xi32>
      %convert_element_type3A_77 = arith.sitofp %convert_element_type3A_76 : vector<128x2048xi32> to vector<128x2048xf32>
      %swap3A_78 = arith.index_cast %mul3A_29 : i32 to index
      %swap3A_79 = arith.constant 0 : index
      %swap3A_80 = vector.load %arg9[%swap3A_78, %swap3A_79] : memref<2048x2048xf32, #tpu.memory_space<vmem>>, vector<128x2048xf32>
      tpu.vector_store %arg9[%swap3A_78, %swap3A_79], %convert_element_type3A_77 {strides = array<i32>} : memref<2048x2048xf32, #tpu.memory_space<vmem>>, vector<128x2048xf32>,
    }
    %scan3A_16 = arith.constant 16 : i32
    %get3A_17 = arith.constant 0 : index
    %get3A_18 = arith.constant 0 : index
    %get3A_19 = vector.load %arg9[%get3A_17, %get3A_18] : memref<2048x2048xf32, #tpu.memory_space<vmem>>, vector<2048x2048xf32>
    %broadcast_in_dim3A = arith.constant 1.000000e+00 : f32
    %broadcast_in_dim3A_20 = vector.broadcast %broadcast_in_dim3A : f32 to vector<1x2048xf32>
    %dot_general3A = arith.constant dense<0.000000e+00> : vector<1x2048xf32>
    %dot_general3A_21 = tpu.matmul %broadcast_in_dim3A_20, %get3A_19, %dot_general3A {dimension_numbers = #tpu.dot_dimension_numbers<[1], [0], [0], [1], [0, 0, 1, 1], [], []>, transpose_lhs_hint = false} : vector<1x2048xf32>, vector<2048x2048xf32>, vector<1x2048xf32> -> vector<1x2048xf32>
    %eq3A = arith.constant 0.000000e+00 : f32
    %eq3A_22 = vector.broadcast %eq3A : f32 to vector<1x2048xf32>
    %eq3A_23 = arith.cmpf oeq, %dot_general3A_21, %eq3A_22 : vector<1x2048xf32>
    %convert_element_type3A = arith.extui %eq3A_23 : vector<1x2048xi1> to vector<1x2048xi32>
    %convert_element_type3A_24 = arith.sitofp %convert_element_type3A : vector<1x2048xi32> to vector<1x2048xf32>
    %while3A:2 = scf.while (%while3A_27 = %broadcast_in_dim3A_20, %while3A_28 = %convert_element_type3A_24) : (vector<1x2048xf32>, vector<1x2048xf32>) -> (vector<1x2048xf32>, vector<1x2048xf32>) {
      %ne3A = arith.cmpf one, %while3A_27, %while3A_28 : vector<1x2048xf32>
      %reduce_or3A = arith.constant 1.000000e+00 : f32
      %reduce_or3A_29 = arith.constant 0.000000e+00 : f32
      %reduce_or3A_30 = vector.broadcast %reduce_or3A : f32 to vector<1x2048xf32>
      %reduce_or3A_31 = vector.broadcast %reduce_or3A_29 : f32 to vector<1x2048xf32>
      %reduce_or3A_32 = arith.select %ne3A, %reduce_or3A_30, %reduce_or3A_31 : vector<1x2048xi1>, vector<1x2048xf32>
      %reduce_or3A_33 = vector.shape_cast %reduce_or3A_32 : vector<1x2048xf32> to vector<1x1x2048xf32>
      %reduce_or3A_34 = arith.constant dense<0xFF800000> : vector<1xf32>
      %reduce_or3A_35 = vector.multi_reduction <maximumf>, %reduce_or3A_33, %reduce_or3A_34 [1, 2] : vector<1x1x2048xf32> to vector<1xf32>
      %reduce_or3A_36 = vector.shape_cast %reduce_or3A_35 : vector<1xf32> to vector<1x1x1xf32>
      %reduce_or3A_37 = vector.extract %reduce_or3A_36[0, 0, 0] : f32 from vector<1x1x1xf32>
      %reduce_or3A_38 = arith.constant 0.000000e+00 : f32
      %reduce_or3A_39 = arith.cmpf ogt, %reduce_or3A_37, %reduce_or3A_38 : f32
      scf.condition(%reduce_or3A_39) %while3A_27, %while3A_28 : vector<1x2048xf32>, vector<1x2048xf32>
    } do {
    ^bb0(%while3A_27: vector<1x2048xf32>, %while3A_28: vector<1x2048xf32>):
      %dot_general3A_29 = arith.constant dense<0.000000e+00> : vector<1x2048xf32>
      %dot_general3A_30 = tpu.matmul %while3A_28, %get3A_19, %dot_general3A_29 {dimension_numbers = #tpu.dot_dimension_numbers<[1], [0], [0], [1], [0, 0, 1, 1], [], []>, transpose_lhs_hint = false} : vector<1x2048xf32>, vector<2048x2048xf32>, vector<1x2048xf32> -> vector<1x2048xf32>
      %eq3A_31 = arith.constant 0.000000e+00 : f32
      %eq3A_32 = vector.broadcast %eq3A_31 : f32 to vector<1x2048xf32>
      %eq3A_33 = arith.cmpf oeq, %dot_general3A_30, %eq3A_32 : vector<1x2048xf32>
      %convert_element_type3A_34 = arith.extui %eq3A_33 : vector<1x2048xi1> to vector<1x2048xi32>
      %convert_element_type3A_35 = arith.sitofp %convert_element_type3A_34 : vector<1x2048xi32> to vector<1x2048xf32>
      scf.yield %while3A_28, %convert_element_type3A_35 : vector<1x2048xf32>, vector<1x2048xf32>
    }
    %swap3A = arith.constant 0 : index
    %swap3A_25 = arith.constant 0 : index
    %swap3A_26 = vector.load %arg8[%swap3A, %swap3A_25] : memref<1x2048xf32, #tpu.memory_space<vmem>>, vector<1x2048xf32>
    tpu.vector_store %arg8[%swap3A, %swap3A_25], %while3A#1 {strides = array<i32>} : memref<1x2048xf32, #tpu.memory_space<vmem>>, vector<1x2048xf32>,
    return
  }
}

</mosaic_0001>

<sc_bundles>
// kernel: gather_offload_async_start
scs
__scs_entry_jumppad:
0x0: {  	(pc) =	sbr.rel $0x88, $3  }
0x1: {  	(tag) =	ssettag $0x0;
	lr =	simm.s32 $0x1  }
0x2: {  	[smem:$0x3F9E] =	sst lr;
	_ =	strace $0xD0000000  }
0x3: {  	_ = 	snop  }
0x4: {  	_ = 	snop  }
0x5: {  	_ = 	snop  }
0x6: {  	_ = 	snop  }
0x7: {  	_ = 	snop  }
__scs_overlays_trampoline_lowered:
0x8: {  	[smem:$0x3FAD] =	sst s0  }
0x9: {  	[smem:$0x3FAE] =	sst s1  }
0xa: {  	[smem:$0x3FAF] =	sst s2  }
0xb: {  	[smem:$0x3FB0] =	sst s3  }
0xc: {  	[smem:$0x3FB1] =	sst s4  }
0xd: {  	[smem:$0x3FB2] =	sst s5  }
0xe: {  	[smem:$0x3FB3] =	sst s6  }
0xf: {  	[smem:$0x3FB4] =	sst s7  }
0x10: {  	[smem:$0x3FB5] =	sst s8  }
0x11: {  	[smem:$0x3FB6] =	sst s9;
	s0 =	simm.s32 @!p0 $0x0  }
0x12: {  	s1 =	sld [smem:$0x3F9C];
	s0 =	simm.s32 @p0 $0x1  }
0x13: {  	[smem:$0x3FB7] =	sst s0;
	s0 =	simm.s32 @!p1 $0x0  }
0x14: {  	s2 =	sld [smem:$0x3F9B];
	s0 =	simm.s32 @p1 $0x1  }
0x15: {  	[smem:$0x3FB8] =	sst s0;
	s0 =	simm.s32 @!p2 $0x0  }
0x16: {  	s3 =	sld [smem:$0x3FDB];
	s0 =	simm.s32 @p2 $0x1  }
0x17: {  	s4 =	simm.s32 $0x1BF5;
	[smem:$0x3FBA] =	sst s0  }
0x18: {  	s0 =	sld [smem:$0x3F9D];
	_ =	swait.ge [sflag:s4], $0x0  }
0x19: {  	s7 =	sld [smem:$0x3F9E]  }
0x1a: {  	s8 =	sadd.s32 $0xFFFFE003, lr  }
0x1b: {  	s9 =	sadd.s32 $0xFFFFFEF7, lr;
	s5 =	simm.s32 $0xFFFFFFFF;
	p2 =	slt.u32 s8, $0xFFFFF086  }
0x1c: {  	p1 =	slt.u32 s9, $0xF7A;
	s5 =	simm.s32 @!p2 $0x0  }
0x1d: {  	s5 =	simm.s32 @p1 $0x1;
	p0 =	seq.s32 s7, s2  }
0x1e: {  	s7 =	smul.u32 @!p0 $0xF7A, s2;
	p2 =	seq.s32 @!p0 s5, $0x0  }
0x1f: {  	s9 =	smul.u32 $0xF7A, s1;
	s8 =	simm.s32 @!p0 $0x1BF5;
	p2 =	por !p2, p0  }
0x20: {  	[sflag:s8] =	ssyncset.s32 @!p0 $0xFFFFF086;
	s6 =	sadd.s32 @!p0 s3, s7;
	s7 =	simm.s32 @!p0 $0x108  }
0x21: {  	s3 =	sadd.s32 s3, s9;
	s6 =	sadd.s32 @!p0 $0x88, s6;
	s7 =	simm.s32 @p2 $0x1082  }
0x22: {  	[simem:s7], [sflag:s8] =	dma.local @!p0 [hbm:s6], $0xF7A  }
0x23: {  	s9 =	sor.u32 $0xD0000000, s2;
	s6 =	simm.s32 $0x108;
	_ =	swait.ge @!p0 [sflag:s8], $0x0  }
0x24: {  	s3 =	sadd.s32 $0x88, s3;
	s6 =	simm.s32 @!p1 $0x1082;
	[sflag:s4] =	ssyncset.s32 $0xFFFFF086  }
0x25: {  	[simem:s6], [sflag:s4] =	dma.local [hbm:s3], $0xF7A  }
0x26: {  	[smem:$0x3F9E] =	sst s1;
	(tag) =	ssettag s2;
	_ =	strace s9  }
0x27: {  	s1 =	sld [smem:$0x3FAE]  }
0x28: {  	s2 =	sld [smem:$0x3FAF]  }
0x29: {  	s4 =	sld [smem:$0x3FB1]  }
0x2a: {  	p0 =	seq.s32 s5, $0x0;
	s5 =	sld [smem:$0x3FB2]  }
0x2b: {  	s6 =	sld [smem:$0x3FB3]  }
0x2c: {  	s7 =	sld [smem:$0x3FB4]  }
0x2d: {  	s3 =	simm.s32 $0x108;
	s8 =	sld [smem:$0x3FB5]  }
0x2e: {  	s3 =	simm.s32 @!p0 $0x1082;
	s9 =	sld [smem:$0x3FB6]  }
0x2f: {  	lr =	sadd.s32 s0, s3;
	s0 =	sld [smem:$0x3FAD]  }
0x30: {  	s3 =	sld [smem:$0x3FB0]  }
0x31: {  	[smem:$0x3FB9] =	sst s10  }
0x32: {  	s10 =	sld [smem:$0x3FB7];
	_ =	sdelay $0x3  }
0x33: {  	p0 =	seq.s32 s10, $0x1;
	s10 =	sld [smem:$0x3FB9];
	_ =	sdelay $0x3  }
0x34: {  	[smem:$0x3FB9] =	sst s10  }
0x35: {  	s10 =	sld [smem:$0x3FB8];
	_ =	sdelay $0x3  }
0x36: {  	p1 =	seq.s32 s10, $0x1;
	s10 =	sld [smem:$0x3FB9];
	_ =	sdelay $0x3  }
0x37: {  	[smem:$0x3FB9] =	sst s10  }
0x38: {  	s10 =	sld [smem:$0x3FBA]  }
0x39: {  	_ = 	snop;
	(pc) =	sbr.ind lr, $3  }
0x3a: {  	_ = 	snop  }
0x3b: {  	_ = 	snop  }
0x3c: {  	p2 =	seq.s32 s10, $0x1;
	s10 =	sld [smem:$0x3FB9]  }
0x3d: {  	_ =	shalt  }
0x3e: {  	_ =	shalt  }
0x3f: {  	_ =	shalt  }
0x40: {  	_ =	shalt  }
0x41: {  	_ =	shalt  }
0x42: {  	_ =	shalt  }
0x43: {  	_ =	shalt  }
0x44: {  	_ =	shalt  }
0x45: {  	_ =	shalt  }
0x46: {  	_ =	shalt  }
0x47: {  	_ =	shalt  }
0x48: {  	_ =	shalt  }
0x49: {  	_ =	shalt  }
0x4a: {  	_ =	shalt  }
0x4b: {  	_ =	shalt  }
0x4c: {  	_ =	shalt  }
0x4d: {  	_ =	shalt  }
0x4e: {  	_ =	shalt  }
0x4f: {  	_ =	shalt  }
0x50: {  	_ =	shalt  }
0x51: {  	_ =	shalt  }
0x52: {  	_ =	shalt  }
0x53: {  	_ =	shalt  }
0x54: {  	_ =	shalt  }
0x55: {  	_ =	shalt  }
0x56: {  	_ =	shalt  }
0x57: {  	_ =	shalt  }
0x58: {  	_ =	shalt  }
0x59: {  	_ =	shalt  }
0x5a: {  	_ =	shalt  }
0x5b: {  	_ =	shalt  }
0x5c: {  	_ =	shalt  }
0x5d: {  	_ =	shalt  }
0x5e: {  	_ =	shalt  }
0x5f: {  	_ =	shalt  }
0x60: {  	_ =	shalt  }
0x61: {  	_ =	shalt  }
0x62: {  	_ =	shalt  }
0x63: {  	_ =	shalt  }
0x64: {  	_ =	shalt  }
0x65: {  	_ =	shalt  }
0x66: {  	_ =	shalt  }
0x67: {  	_ =	shalt  }
0x68: {  	_ =	shalt  }
0x69: {  	_ =	shalt  }
0x6a: {  	_ =	shalt  }
0x6b: {  	_ =	shalt  }
0x6c: {  	_ =	shalt  }
0x6d: {  	_ =	shalt  }
0x6e: {  	_ =	shalt  }
0x6f: {  	_ =	shalt  }
0x70: {  	_ =	shalt  }
0x71: {  	_ =	shalt  }
0x72: {  	_ =	shalt  }
0x73: {  	_ =	shalt  }
0x74: {  	_ =	shalt  }
0x75: {  	_ =	shalt  }
0x76: {  	_ =	shalt  }
0x77: {  	_ =	shalt  }
0x78: {  	_ =	shalt  }
0x79: {  	_ =	shalt  }
0x7a: {  	_ =	shalt  }
0x7b: {  	_ =	shalt  }
0x7c: {  	_ =	shalt  }
0x7d: {  	_ =	shalt  }
0x7e: {  	_ =	shalt  }
0x7f: {  	_ =	shalt  }
0x80: {  	_ =	shalt  }
0x81: {  	_ =	shalt  }
0x82: {  	_ =	shalt  }
0x83: {  	_ =	shalt  }
0x84: {  	_ =	shalt  }
0x85: {  	_ =	shalt  }
0x86: {  	_ =	shalt  }
0x87: {  	_ =	shalt  }
.Lfunc_end0:
.L_simem_size_0:
called_computation_lowered:
.L_overlay_start_0:
0x88: {  	s0 =	sld [smem:$0x3FD9]  }
0x89: {  	s1 =	sld [smem:$0x3FFE];
	_ =	sdelay $0x3  }
0x8a: {  	s0 =	sadd.s32 s1, s0  }
0x8b: {  	[smem:$0x3FC5] =	sst s0  }
0x8c: {  	_ = 	snop  }
0x8d: {  	s0 =	sld [smem:$0x3FD0];
	(tm) =	ssettm $0x1  }
0x8e: {  	s16 =	sld [smem:$0x3FFB];
	_ =	sdelay $0x3  }
0x8f: {  	_ =	strace s16  }
0x90: {  	s1 =	sld [smem:$0x3FFC];
	_ =	sdelay $0x3  }
0x91: {  	_ =	strace s1  }
0x92: {  	s1 =	sld [smem:$0x3FFD];
	_ =	sdelay $0x3  }
0x93: {  	_ =	strace s1  }
0x94: {  	_ =	strace $0x8FFFFFFF  }
0x95: {  	s17 =	sld [smem:$0x3FDB];
	_ =	sdelay $0x1  }
0x96: {  	s2 =	simm.s32 $_scs_section_size  }
0x97: {  	s3 =	simm.s32 $_size__tile_overlayer_lowered;
	s4 =	simm.s32 $_tile_overlayer_lowered  }
0x98: {  	s20 =	simm.s32 $0x1BFF;
	s19 =	sshll.u32 s4, $0x1;
	s1 =	sadd.s32 s2, s17  }
0x99: {  	s5 =	simm.s32 $0x0;
	s18 =	sshll.u32 s3, $0x1;
	s3 =	sadd.s32 s19, s1  }
0x9a: {  	[timem:s5], [sflag:s20] =	dma.local [hbm:s3], s18  }
0x9b: {  	_ =	swait.ge [sflag:s20], s18  }
0x9c: {  	s2 =	ssub.s32 $0x0, s18;
	[sflag:s20] =	ssyncset.done $0x0  }
0x9d: {  	[sflag:s20] =	ssyncadd.s32 s2;
	_ =	sdelay $0x1  }
0x9e: {  	s21 =	simm.s32 $0x1B8B  }
0x9f: {  	_ =	swait.ge [sflag:s21], $0x1  }
0xa0: {  	[sflag:s21] =	ssyncset.done $0x0  }
0xa1: {  	s23 =	simm.s32 $0x1B8E;
	s22 =	sld [smem:$0x3FFE];
	[sflag:s21] =	ssyncadd.s32 $0xFFFFFFFF  }
0xa2: {  	s24 =	simm.s32 $execute0_lowered;
	[smem:$0x3FD2] =	sst s23  }
0xa3: {  	s3 =	sshll.u32 s24, $0x1;
	_ =	strace $0x80000046;
	[dreg:$0x1] =	wrdreg $0xFFFFFFFF  }
0xa4: {  	s25 =	simm.s32 $_size_execute0_lowered;
	s1 =	sadd.s32 s1, s3;
	[dreg:$0x0] =	wrdreg $0x0  }
0xa5: {  	s3 =	sshll.u32 s25, $0x1;
	[dreg:$0x2] =	wrdreg s1  }
0xa6: {  	[dreg:$0x3] =	wrdreg s3  }
0xa7: {  	[dreg:$0x4] =	wrdreg $0xC0  }
0xa8: {  	_ =	task [dreg:s5], $0x5FFFF  }
0xa9: {  	[dreg:$0x1] =	wrdreg $0xFFFFFFFF  }
0xaa: {  	[dreg:$0x0] =	wrdreg $0x60  }
0xab: {  	[dreg:$0x2] =	wrdreg s22  }
0xac: {  	[dreg:$0x3] =	wrdreg s0  }
0xad: {  	[dreg:$0x4] =	wrdreg $0x9  }
0xae: {  	_ =	task.clear_ibuf [dreg:s5], $0x5FFFF;
	_ =	strace $0x90000046  }
0xaf: {  	s26 =	simm.s32 $0x9;
	_ =	strace $0x80000048  }
0xb0: {  	_ =	swait.ge [sflag:s26], $0x1  }
0xb1: {  	[sflag:s26] =	ssyncadd.s32 $0xFFFFFFFF  }
0xb2: {  	_ =	strace $0x90000048  }
0xb3: {  	_ =	sfence  }
0xb4: {  	s28 =	sld [smem:$0x0];
	_ =	sdelay $0x1  }
0xb5: {  	s29 =	srdreg.scid  }
0xb6: {  	s30 =	sshll.u32 s29, $0xD;
	s31 =	sshrl.u32 s29, $0x2  }
0xb7: {  	s2 =	sand.u32 $0x4000, s30;
	s1 =	sand.u32 $0x1, s29;
	s0 =	sadd.s32 s31, s28  }
0xb8: {  	s1 =	sor.u32 s2, s1;
	s0 =	sshll.u32 s0, $0x11  }
0xb9: {  	s0 =	sor.u32 s0, s1  }
0xba: {  	s0 =	sadd.s32 $0x8F2B, s0  }
0xbb: {  	[sflag:s0] =	ssyncadd.remote.s32 $0x1  }
0xbc: {  	_ =	sfence.sel $0xFFFF  }
0xbd: {  	[dreg:$0x0] =	wrdreg $0xFFFFFFFF;
	(pc) =	sbr.abs _section_cstart, $3  }
0xbe: {  	[dreg:$0x1] =	wrdreg $0xFFFFFFFF  }
0xbf: {  	_ =	task.clear_ibuf [dreg:s5], $0x2FFFF;
	_ =	strace $0x9FFFFFFF  }
0xc0: {  	(tm) =	ssettm $0x7FFFFFFF  }
0xc1: {  	_ =	shalt  }
tec
execute0_lowered:
.L_overlay_start_1:
0x0: {  	(tag) =	ssettag $0x1  }
0x1: {  	s0 =	stileid.u32  }
0x2: {  	s1 =	smin.u32 s0, $0x9  }
0x3: {  	s1 =	sadd.s32 s0, s1  }
0x4: {  	s2 =	simm.s32 $0xA0;
	p0 =	slt.u32 s0, $0x9;
	s1 =	smul.u32 $0x50, s1  }
0x5: {  	s2 =	simm.s32 @!p0 $0x50  }
0x6: {  	s2 =	sadd.s32 s2, s1  }
0x7: {  	s3 =	smin.u32 s2, $0x7D0  }
0x8: {  	s7 =	ssub.s32 s3, s1  }
0x9: {  	p0 =	sgt.s32 s7, $0x0  }
0xa: {  	s7 =	simm.s32 @!p0 $0x0  }
0xb: {  	s4 =	rddreg [dreg:$0x0];
	s31 =	smul.u32 $0xCCCD, s7  }
0xc: {  	s5 =	rddreg [dreg:$0x1]  }
0xd: {  	s6 =	simm.s32 $0x1;
	s10 =	simm.s32 $0x3;
	s8 =	sshrl.u32 s31, $0x16  }
0xe: {  	s13 =	simm.s32 $0x0;
	s12 =	simm.s32 $0x0;
	s9 =	smul.u32 $0x50, s8  }
.Ltmp0:
0xf: {  	s11 =	smov.u32 s1;
	s2 =	rddreg [dreg:$0x2];
	(pc) =	sbr.rel .LBB2_1-.Ltmp0, $4  }
0x10: {  	_ =	strace $0x80000047;
	p0 =	sne.s32 s7, s9;
	s9 =	simm.s32 $0x1  }
0x11: {  	[sflag:s6] =	ssyncpa.u1 $0x0;
	s7 =	simm.s32 $0x2;
	s9 =	simm.s32 @!p0 $0x0  }
0x12: {  	[sflag:s7] =	ssyncpa.u1 $0x0;
	p0 =	por $0x0, $0x0;
	s8 =	sadd.s32 s8, s9  }
0x13: {  	vm0 =	vmmov $0xff;
	vm1 =	vcmask $0x3F20;
	s9 =	sadd.s32 $0x4E200, s4;
	[sflag:s10] =	ssyncpa.u1 $0x0;
	s10 =	sadd.s32 $0x1, s8  }
.LBB2_6:
0x14: {  	[hbm:s17] =	stream.linear.scatter [tilespmem:s14], [sflag:$0x3], $0x400, $0x38;
	[tilespmem:$0x50A0] =	vst v63  }
.LBB2_7:
0x15: {  	s13 =	sadd.s32 $0x50, s11  }
0x16: {  	s15 =	smov.u32 s1;
	p2 =	slt.s32 s13, s3  }
0x17: {  	s15 =	smov.u32 @p2 s13;
	p2 =	sne.s32 s12, s10  }
.Ltmp1:
0x18: {  	p1 =	slt.u32 s12, $0x2;
	(pc) =	sbr.rel @!p2 .LBB2_8-.Ltmp1, $4  }
0x19: {  	s14 =	simm.s32 @!p1 $0x3  }
0x1a: {  	s16 =	sadd.s32 $0x1, s12;
	_ =	swait.ge @!p1 [sflag:s14], $0x2800  }
0x1b: {  	p0 =	por !p0, !p0;
	s13 =	smov.u32 s11;
	[sflag:s14] =	ssyncset.done @!p1 $0x0  }
0x1c: {  	s12 =	smov.u32 s16;
	s11 =	smov.u32 s15;
	[sflag:s14] =	ssyncadd.s32 @!p1 $0xFFFFD800  }
.LBB2_1:
0x1d: {  	p1 =	sge.u32 s12, s8  }
0x1e: {  	s14 =	sxor.u32 @!p1 $0xFFFFFFFF, s12  }
0x1f: {  	s14 =	sand.u32 @!p1 $0x1, s14  }
0x20: {  	s14 =	smul.u32 @!p1 $0x140, s14  }
0x21: {  	s31 =	sadd.s32 $0xFFFFFFFF, s12;
	s15 =	sshrl.u32 @!p1 s11, $0x3  }
0x22: {  	s16 =	sand.u32 @!p1 $0x7, s11;
	s15 =	sadd.s32 @!p1 s5, s15;
	s14 =	sshrl.u32 @!p1 s14, $0x2  }
0x23: {  	[tilespmem:s14], [sflag:$0x2] =	stream.linear.gather @!p1 [hbm4b:s15+s16], $0x50, $0x38;
	[tilespmem:$0x50A0] =	vst v63  }
0x24: {  	p1 =	sge.u32 s31, s8  }
.Ltmp2:
0x25: {  	_ = 	snop;
	(pc) =	sbr.rel @p1 .LBB2_7-.Ltmp2, $1  }
0x26: {  	_ =	sdelay $0x3  }
0x27: {  	s14 =	simm.s32 $0x1  }
0x28: {  	s14 =	simm.s32 @!p0 $0x0  }
0x29: {  	s15 =	smul.u32 $0x140, s14  }
0x2a: {  	_ =	swait.ge [sflag:s7], $0x50  }
0x2b: {  	[sflag:s7] =	ssyncset.done $0x0;
	s16 =	sshrl.u32 s15, $0x2  }
0x2c: {  	[sflag:s7] =	ssyncadd.s32 $0xFFFFFFB0;
	s15 =	sadd.s32 $0x0, s16  }
0x2d: {  	v0 =	vld.msk [tilespmem:s15+$0x0 ss:$0x1], $0xffff;
	_ =	sdelay $0x4  }
0x2e: {  	vm2 =	vgt.s32 v0, $0x0  }
0x2f: {  	v0 =	vnsel vm2, $0x0, v0  }
0x30: {  	v0 =	vmin.u32 v0, $0x4E1F  }
0x31: {  	v0 =	vshll.u32 v0, $0x4  }
0x32: {  	s14 =	smul.u32 $0xA000, s14;
	_ =	sdelay $0x1  }
0x33: {  	s14 =	sshrl.u32 s14, $0x2  }
0x34: {  	s14 =	sor.u32 $0xA0, s14  }
0x35: {  	[tilespmem:s14], [sflag:$0x1] =	stream.indirect_vreg.gather [hbm:s4], $0x80, v0, vm0, $0x38;
	[tilespmem:$0x50A0] =	vst v63  }
0x36: {  	s17 =	sadd.s32 $0x10, s16;
	s15 =	sadd.s32 $0x400, s14  }
0x37: {  	[tilespmem:s15], [sflag:$0x1] =	stream.indirect_vreg.gather [hbm:s4], $0x80, v0, vm1, $0x38;
	[tilespmem:$0x50A0] =	vst v63  }
0x38: {  	s18 =	simm.s32 $0x80;
	v0 =	vld.msk [tilespmem:s17+$0x0 ss:$0x1], $0xffff;
	s17 =	smov.u32 s14  }
.LBB2_3:
0x39: {  	p1 =	sne.s32 s18, $0x100;
	_ =	sdelay $0x4  }
0x3a: {  	vm2 =	vgt.s32 v0, $0x0  }
0x3b: {  	v0 =	vnsel vm2, $0x0, v0  }
0x3c: {  	v0 =	vmin.u32 v0, $0x4E1F  }
0x3d: {  	v0 =	vshll.u32 v0, $0x4;
	_ =	sdelay $0x3  }
.Ltmp3:
0x3e: {  	s19 =	sshra.s32 s18, $0x2;
	s17 =	sadd.s32 $0x800, s17;
	(pc) =	sbr.rel @p1 .LBB2_3-.Ltmp3, $4  }
0x3f: {  	[tilespmem:s17], [sflag:$0x1] =	stream.indirect_vreg.gather [hbm:s4], $0x80, v0, vm0, $0x38;
	[tilespmem:$0x50A0] =	vst v63  }
0x40: {  	s19 =	sadd.s32 s19, s16;
	s20 =	sadd.s32 $0x400, s17  }
0x41: {  	[tilespmem:s20], [sflag:$0x1] =	stream.indirect_vreg.gather [hbm:s4], $0x80, v0, vm1, $0x38;
	[tilespmem:$0x50A0] =	vst v63  }
0x42: {  	s18 =	sadd.s32 $0x40, s18;
	v0 =	vld.msk [tilespmem:s19+$0x0 ss:$0x1], $0xffff  }
0x43: {  	_ =	sdelay $0x3  }
0x44: {  	vm2 =	vgt.s32 v0, $0x0  }
0x45: {  	v0 =	vnsel vm2, $0x0, v0  }
0x46: {  	v0 =	vmin.u32 v0, $0x4E1F  }
0x47: {  	v0 =	vshll.u32 v0, $0x4;
	_ =	sdelay $0x3  }
0x48: {  	s16 =	sadd.s32 $0x800, s17  }
0x49: {  	[tilespmem:s16], [sflag:$0x1] =	stream.indirect_vreg.gather [hbm:s4], $0x80, v0, vm0, $0x38;
	[tilespmem:$0x50A0] =	vst v63  }
0x4a: {  	s16 =	sadd.s32 $0x400, s16  }
0x4b: {  	[tilespmem:s16], [sflag:$0x1] =	stream.indirect_vreg.gather [hbm:s4], $0x80, v0, vm1, $0x38;
	[tilespmem:$0x50A0] =	vst v63  }
0x4c: {  	s13 =	sshll.u32 s13, $0x4;
	_ =	swait.ge [sflag:s6], $0x2800  }
0x4d: {  	s13 =	sadd.s32 s13, s9;
	[sflag:s6] =	ssyncset.done $0x0  }
0x4e: {  	s17 =	sadd.s32 $0x0, s13;
	s16 =	simm.s32 $0x80;
	[sflag:s6] =	ssyncadd.s32 $0xFFFFD800  }
.LBB2_5:
0x4f: {  	[hbm:s17] =	stream.linear.scatter [tilespmem:s14], [sflag:$0x3], $0x400, $0x38;
	[tilespmem:$0x50A0] =	vst v63  }
0x50: {  	s17 =	smov.u32 s16;
	s14 =	smov.u32 s15;
	p1 =	sne.s32 s16, $0x480  }
.Ltmp4:
0x51: {  	s16 =	sadd.s32 $0x80, s16;
	(pc) =	sbr.rel @p1 .LBB2_5-.Ltmp4, $2  }
0x52: {  	_ =	sdelay $0x2  }
0x53: {  	s15 =	sadd.s32 $0x400, s15;
	s17 =	sadd.s32 s17, s13  }
.Ltmp5:
0x54: {  	_ = 	snop;
	(pc) =	sbr.rel .LBB2_6-.Ltmp5, $1  }
0x55: {  	_ =	sdelay $0x3  }
.LBB2_8:
0x56: {  	_ =	sfence.sel $0x180000  }
0x57: {  	s1 =	simm.s32 $0x2;
	[bflag:$0x0] =	sbarrier.arrive $0xFFFF  }
0x58: {  	s30 =	simm.s32 $0x3;
	[sflag:s1] =	ssyncpa.u1 $0x1  }
0x59: {  	s31 =	simm.s32 $0x1;
	[sflag:s30] =	ssyncpa.u1 $0x1  }
0x5a: {  	[sflag:s31] =	ssyncpa.u1 $0x1  }
0x5b: {  	p0 =	sne.s32 s0, $0x0;
	_ =	strace $0x90000047  }
0x5c: {  	s0 =	sadd.s32 @!p0 $0x100000, s2;
	[bflag:$0x2] =	sbarrier.arrive $0xFFFF  }
0x5d: {  	[sflag:s0] =	ssyncadd.tile.s32 @!p0 $0x1;
	_ =	shalt  }
.Lfunc_end2:
_tile_overlayer_lowered:
.L_overlay_start_2:
0x5e: {  	(tag) =	ssettag $0x2  }
0x5f: {  	s0 =	rddreg [dreg:$0x0];
	s2 =	stileid.u32  }
0x60: {  	s1 =	rddreg [dreg:$0x1];
	p0 =	sne.s32 s2, $0x0  }
0x61: {  	s3 =	rddreg [dreg:$0x2];
	[bflag:$0x3] =	sbarrier.arrive $0xFFFF;
	s2 =	simm.s32 @!p0 $0x1C01  }
0x62: {  	[timem:s3], [sflag:s2] =	dma.local @!p0 [hbm:s0], s1  }
0x63: {  	s0 =	simm.s32 @!p0 $0x1  }
0x64: {  	_ =	swait.ge @!p0 [sflag:s0], s1  }
0x65: {  	s1 =	ssub.s32 @!p0 $0x0, s1;
	[sflag:s0] =	ssyncset.done @!p0 $0x0  }
0x66: {  	[sflag:s0] =	ssyncadd.s32 @!p0 s1  }
0x67: {  	[bflag:$0x3] =	sbarrier.arrive $0xFFFF  }
0x68: {  	_ =	shalt  }

</sc_bundles>
